<compile_context>
chip_gen: v7x
topology: tpu7x:2x2x1
jax: 0.10.2.dev20260603
libtpu: 0.0.44.dev20260713+nightly
codegen_flags: <defaults>
</compile_context>

<pallas_src>
import jax
import jax.numpy as jnp
from jax import lax
from jax.experimental import pallas as pl
from jax.experimental.pallas import tpu as pltpu
from jax.experimental.pallas import tpu_sc as plsc

ROWS, COLS = 4096, 50
EMBED_DIM = 128
B = ROWS * COLS

NUM_CORES = 2
NUM_SUBCORES = 16
NW = NUM_CORES * NUM_SUBCORES
B_PER_W = B // NW
CHUNK = 200
NCHUNK = B_PER_W // CHUNK
NBUF = 4
K = 2
NGROUP = NCHUNK // NBUF


def _embed_body(x_hbm, w_hbm, out_hbm, idx_v, *rest):
    bufs = rest[:NBUF]
    gsem = rest[NBUF : 2 * NBUF]
    ssem = rest[2 * NBUF : 3 * NBUF]

    wid = lax.axis_index("s") * NUM_CORES + lax.axis_index("c")
    base = wid * B_PER_W
    pltpu.sync_copy(x_hbm.at[pl.ds(base, B_PER_W)], idx_v)

    def gather(j, b):
        pltpu.async_copy(
            w_hbm.at[idx_v.at[pl.ds(j * CHUNK, CHUNK)]], bufs[b], gsem[b]
        )

    def wait_gather(b):
        pltpu.make_async_copy(w_hbm.at[pl.ds(0, CHUNK)], bufs[b], gsem[b]).wait()

    def store(j, b):
        pltpu.async_copy(bufs[b], out_hbm.at[pl.ds(base + j * CHUNK, CHUNK)], ssem[b])

    def wait_store(b):
        pltpu.make_async_copy(w_hbm.at[pl.ds(0, CHUNK)], bufs[b], ssem[b]).wait()

    for j in range(K):
        gather(j, j % NBUF)

    for v in range(NBUF):
        b2 = (v + K) % NBUF
        if v + K >= NBUF:
            wait_store(b2)
        gather(v + K, b2)
        wait_gather(v % NBUF)
        store(v, v % NBUF)

    def group(g, carry):
        j0 = g * NBUF
        for v in range(NBUF):
            j = j0 + v
            b = v % NBUF
            b2 = (v + K) % NBUF
            wait_store(b2)
            gather(j + K, b2)
            wait_gather(b)
            store(j, b)
        return carry

    lax.fori_loop(1, NGROUP - 1, group, 0)

    j0 = (NGROUP - 1) * NBUF
    for v in range(NBUF):
        j = j0 + v
        b = v % NBUF
        if j + K < NCHUNK:
            b2 = (v + K) % NBUF
            wait_store(b2)
            gather(j + K, b2)
        wait_gather(b)
        store(j, b)

    for b in range(NBUF):
        wait_store(b)


@jax.jit
def _embed(x_flat, W):
    mesh = plsc.VectorSubcoreMesh(core_axis_name="c", subcore_axis_name="s")
    run = pl.kernel(
        _embed_body,
        mesh=mesh,
        out_type=jax.ShapeDtypeStruct((B, EMBED_DIM), jnp.float32),
        scratch_types=[
            pltpu.VMEM((B_PER_W,), jnp.int32),
            *[pltpu.VMEM((CHUNK, EMBED_DIM), jnp.float32) for _ in range(NBUF)],
            *[pltpu.SemaphoreType.DMA for _ in range(2 * NBUF)],
        ],
    )
    return run(x_flat, W)


def kernel(x, W):
    x_flat = jnp.swapaxes(x, 0, 1).reshape(B).astype(jnp.int32)
    out = _embed(x_flat, W)
    return jnp.swapaxes(out.reshape(COLS, ROWS, EMBED_DIM), 0, 1)

# --- scband reference (transcript-rebuilt; emitter-appended) ---
"""Pipeline reference for scband-embedding-32993938768113 (READ-ONLY COPY).

The authoritative reference and input builder live on the scoring server;
editing this copy changes nothing except your own understanding.
"""

import jax, jax.numpy as jnp
import numpy as np

VOCAB = 100000
EMBED = 128

def setup_inputs(seed: int = 0) -> dict:
    key = jax.random.key(seed)
    k1, k2 = jax.random.split(key)
    x = jax.random.randint(k1, (4096, 50), 0, VOCAB, dtype=jnp.int64 if jax.config.jax_enable_x64 else jnp.int32)
    W = jax.random.normal(k2, (VOCAB, EMBED), dtype=jnp.float32)
    # padding_idx=0: row 0 of the embedding table is zero
    W = W.at[0].set(0.0)
    return {"x": x, "W": W}

def reference(x, W):
    # Faithful translation of nn.Embedding(vocab, embed, padding_idx=0) lookup:
    # out[i, j] = W[x[i, j]], with row 0 fixed to zeros (padding row).
    W_eff = W.at[0].set(jnp.zeros((EMBED,), dtype=W.dtype))
    out = jnp.take(W_eff, x, axis=0)
    return out

if __name__ == "__main__":
    import jax
    _d = setup_inputs()
    print(jax.jit(kernel)(*tuple(_d.values())))

</pallas_src>

<mosaic_0001>
#map = affine_map<(d0, d1) -> (0)>
#map1 = affine_map<(d0, d1) -> (0, 0)>
module attributes {stable_mosaic.version = 14 : i64} {
  func.func @_embed_body(%arg0: i32, %arg1: i32, %arg2: memref<204800xi32, #tpu.memory_space<hbm>>, %arg3: memref<100000x128xf32, #tpu.memory_space<hbm>>, %arg4: memref<204800x128xf32, #tpu.memory_space<hbm>>, %arg5: memref<6400xi32, #tpu.memory_space<vmem>>, %arg6: memref<200x128xf32, #tpu.memory_space<vmem>>, %arg7: memref<200x128xf32, #tpu.memory_space<vmem>>, %arg8: memref<200x128xf32, #tpu.memory_space<vmem>>, %arg9: memref<200x128xf32, #tpu.memory_space<vmem>>, %arg10: memref<!tpu.dma_semaphore, #tpu.memory_space<semaphore_mem>>, %arg11: memref<!tpu.dma_semaphore, #tpu.memory_space<semaphore_mem>>, %arg12: memref<!tpu.dma_semaphore, #tpu.memory_space<semaphore_mem>>, %arg13: memref<!tpu.dma_semaphore, #tpu.memory_space<semaphore_mem>>, %arg14: memref<!tpu.dma_semaphore, #tpu.memory_space<semaphore_mem>>, %arg15: memref<!tpu.dma_semaphore, #tpu.memory_space<semaphore_mem>>, %arg16: memref<!tpu.dma_semaphore, #tpu.memory_space<semaphore_mem>>, %arg17: memref<!tpu.dma_semaphore, #tpu.memory_space<semaphore_mem>>) attributes {dimension_semantics = [#tpu.dimension_semantics<core_parallel>, #tpu.dimension_semantics<subcore_parallel>], iteration_bounds = array<i64: 2, 16>, scalar_prefetch = 0 : i64, scratch_operands = 13 : i64, tpu.core_type = #tpu.core_type<sc_vector_subcore>, window_params = [{transform_indices = #map}, {transform_indices = #map1}, {transform_indices = #map1}]} {
    %mul3A = arith.constant 2 : i32
    %mul3A_0 = arith.muli %arg1, %mul3A : i32
    %add3A = arith.addi %mul3A_0, %arg0 : i32
    %mul3A_1 = arith.constant 6400 : i32
    %mul3A_2 = arith.muli %add3A, %mul3A_1 : i32
    "tpu.region"() ({
      %run_scoped3A = tpu.sem_alloc : memref<!tpu.dma_semaphore, #tpu.memory_space<semaphore_mem>>
      %dma_start3A_190 = tpu.memref_slice %arg2[%mul3A_2] : memref<204800xi32, #tpu.memory_space<hbm>> -> memref<6400xi32, #tpu.memory_space<hbm>>
      %dma_start3A_191 = tpu.memref_slice %arg2[%mul3A_2] : memref<204800xi32, #tpu.memory_space<hbm>> -> memref<6400xi32, #tpu.memory_space<hbm>>
      tpu.enqueue_dma source(%dma_start3A_191 : memref<6400xi32, #tpu.memory_space<hbm>>) target(%arg5 : memref<6400xi32, #tpu.memory_space<vmem>>) target_semaphore(%run_scoped3A : memref<!tpu.dma_semaphore, #tpu.memory_space<semaphore_mem>>)
      %dma_wait3A_192 = tpu.memref_slice %arg2[%mul3A_2] : memref<204800xi32, #tpu.memory_space<hbm>> -> memref<6400xi32, #tpu.memory_space<hbm>>
      %dma_wait3A_193 = tpu.memref_slice %arg2[%mul3A_2] : memref<204800xi32, #tpu.memory_space<hbm>> -> memref<6400xi32, #tpu.memory_space<hbm>>
      tpu.wait_dma2 semaphore(%run_scoped3A : memref<!tpu.dma_semaphore, #tpu.memory_space<semaphore_mem>>) src(%dma_wait3A_193 : memref<6400xi32, #tpu.memory_space<hbm>>) dst(%arg5 : memref<6400xi32, #tpu.memory_space<vmem>>)
      tpu.yield
    }) : () -> ()
    %dma_start3A = arith.constant 0 : i32
    %dma_start3A_3 = tpu.memref_slice %arg5[%dma_start3A] : memref<6400xi32, #tpu.memory_space<vmem>> -> memref<200xi32, #tpu.memory_space<vmem>>
    %dma_start3A_4 = arith.constant 0 : i32
    %dma_start3A_5 = arith.constant 0 : i32
    %dma_start3A_6 = tpu.memref_slice %arg3[%dma_start3A_4, %dma_start3A_5] : memref<100000x128xf32, #tpu.memory_space<hbm>> -> memref<100000x128xf32, #tpu.memory_space<hbm>>
    tpu.enqueue_indirect_dma source(%dma_start3A_6 : memref<100000x128xf32, #tpu.memory_space<hbm>>) target(%arg6 : memref<200x128xf32, #tpu.memory_space<vmem>>) offsets(%dma_start3A_3 : memref<200xi32, #tpu.memory_space<vmem>>) semaphore(%arg10 : memref<!tpu.dma_semaphore, #tpu.memory_space<semaphore_mem>>)
    %dma_start3A_7 = arith.constant 200 : i32
    %dma_start3A_8 = tpu.memref_slice %arg5[%dma_start3A_7] : memref<6400xi32, #tpu.memory_space<vmem>> -> memref<200xi32, #tpu.memory_space<vmem>>
    %dma_start3A_9 = arith.constant 0 : i32
    %dma_start3A_10 = arith.constant 0 : i32
    %dma_start3A_11 = tpu.memref_slice %arg3[%dma_start3A_9, %dma_start3A_10] : memref<100000x128xf32, #tpu.memory_space<hbm>> -> memref<100000x128xf32, #tpu.memory_space<hbm>>
    tpu.enqueue_indirect_dma source(%dma_start3A_11 : memref<100000x128xf32, #tpu.memory_space<hbm>>) target(%arg7 : memref<200x128xf32, #tpu.memory_space<vmem>>) offsets(%dma_start3A_8 : memref<200xi32, #tpu.memory_space<vmem>>) semaphore(%arg11 : memref<!tpu.dma_semaphore, #tpu.memory_space<semaphore_mem>>)
    %dma_start3A_12 = arith.constant 400 : i32
    %dma_start3A_13 = tpu.memref_slice %arg5[%dma_start3A_12] : memref<6400xi32, #tpu.memory_space<vmem>> -> memref<200xi32, #tpu.memory_space<vmem>>
    %dma_start3A_14 = arith.constant 0 : i32
    %dma_start3A_15 = arith.constant 0 : i32
    %dma_start3A_16 = tpu.memref_slice %arg3[%dma_start3A_14, %dma_start3A_15] : memref<100000x128xf32, #tpu.memory_space<hbm>> -> memref<100000x128xf32, #tpu.memory_space<hbm>>
    tpu.enqueue_indirect_dma source(%dma_start3A_16 : memref<100000x128xf32, #tpu.memory_space<hbm>>) target(%arg8 : memref<200x128xf32, #tpu.memory_space<vmem>>) offsets(%dma_start3A_13 : memref<200xi32, #tpu.memory_space<vmem>>) semaphore(%arg12 : memref<!tpu.dma_semaphore, #tpu.memory_space<semaphore_mem>>)
    %dma_wait3A = arith.constant 0 : i32
    %dma_wait3A_17 = arith.constant 0 : i32
    %dma_wait3A_18 = tpu.memref_slice %arg3[%dma_wait3A, %dma_wait3A_17] : memref<100000x128xf32, #tpu.memory_space<hbm>> -> memref<200x128xf32, #tpu.memory_space<hbm>>
    %dma_wait3A_19 = arith.constant 0 : i32
    %dma_wait3A_20 = arith.constant 0 : i32
    %dma_wait3A_21 = tpu.memref_slice %arg3[%dma_wait3A_19, %dma_wait3A_20] : memref<100000x128xf32, #tpu.memory_space<hbm>> -> memref<200x128xf32, #tpu.memory_space<hbm>>
    tpu.wait_dma2 semaphore(%arg10 : memref<!tpu.dma_semaphore, #tpu.memory_space<semaphore_mem>>) src(%dma_wait3A_21 : memref<200x128xf32, #tpu.memory_space<hbm>>) dst(%arg6 : memref<200x128xf32, #tpu.memory_space<vmem>>)
    %add3A_22 = arith.constant 0 : i32
    %add3A_23 = arith.addi %mul3A_2, %add3A_22 : i32
    %dma_start3A_24 = arith.constant 0 : i32
    %dma_start3A_25 = tpu.memref_slice %arg4[%add3A_23, %dma_start3A_24] : memref<204800x128xf32, #tpu.memory_space<hbm>> -> memref<200x128xf32, #tpu.memory_space<hbm>>
    %dma_start3A_26 = arith.constant 0 : i32
    %dma_start3A_27 = tpu.memref_slice %arg4[%add3A_23, %dma_start3A_26] : memref<204800x128xf32, #tpu.memory_space<hbm>> -> memref<200x128xf32, #tpu.memory_space<hbm>>
    tpu.enqueue_dma source(%arg6 : memref<200x128xf32, #tpu.memory_space<vmem>>) target(%dma_start3A_27 : memref<200x128xf32, #tpu.memory_space<hbm>>) target_semaphore(%arg14 : memref<!tpu.dma_semaphore, #tpu.memory_space<semaphore_mem>>)
    %dma_start3A_28 = arith.constant 600 : i32
    %dma_start3A_29 = tpu.memref_slice %arg5[%dma_start3A_28] : memref<6400xi32, #tpu.memory_space<vmem>> -> memref<200xi32, #tpu.memory_space<vmem>>
    %dma_start3A_30 = arith.constant 0 : i32
    %dma_start3A_31 = arith.constant 0 : i32
    %dma_start3A_32 = tpu.memref_slice %arg3[%dma_start3A_30, %dma_start3A_31] : memref<100000x128xf32, #tpu.memory_space<hbm>> -> memref<100000x128xf32, #tpu.memory_space<hbm>>
    tpu.enqueue_indirect_dma source(%dma_start3A_32 : memref<100000x128xf32, #tpu.memory_space<hbm>>) target(%arg9 : memref<200x128xf32, #tpu.memory_space<vmem>>) offsets(%dma_start3A_29 : memref<200xi32, #tpu.memory_space<vmem>>) semaphore(%arg13 : memref<!tpu.dma_semaphore, #tpu.memory_space<semaphore_mem>>)
    %dma_wait3A_33 = arith.constant 0 : i32
    %dma_wait3A_34 = arith.constant 0 : i32
    %dma_wait3A_35 = tpu.memref_slice %arg3[%dma_wait3A_33, %dma_wait3A_34] : memref<100000x128xf32, #tpu.memory_space<hbm>> -> memref<200x128xf32, #tpu.memory_space<hbm>>
    %dma_wait3A_36 = arith.constant 0 : i32
    %dma_wait3A_37 = arith.constant 0 : i32
    %dma_wait3A_38 = tpu.memref_slice %arg3[%dma_wait3A_36, %dma_wait3A_37] : memref<100000x128xf32, #tpu.memory_space<hbm>> -> memref<200x128xf32, #tpu.memory_space<hbm>>
    tpu.wait_dma2 semaphore(%arg11 : memref<!tpu.dma_semaphore, #tpu.memory_space<semaphore_mem>>) src(%dma_wait3A_38 : memref<200x128xf32, #tpu.memory_space<hbm>>) dst(%arg7 : memref<200x128xf32, #tpu.memory_space<vmem>>)
    %add3A_39 = arith.constant 200 : i32
    %add3A_40 = arith.addi %mul3A_2, %add3A_39 : i32
    %dma_start3A_41 = arith.constant 0 : i32
    %dma_start3A_42 = tpu.memref_slice %arg4[%add3A_40, %dma_start3A_41] : memref<204800x128xf32, #tpu.memory_space<hbm>> -> memref<200x128xf32, #tpu.memory_space<hbm>>
    %dma_start3A_43 = arith.constant 0 : i32
    %dma_start3A_44 = tpu.memref_slice %arg4[%add3A_40, %dma_start3A_43] : memref<204800x128xf32, #tpu.memory_space<hbm>> -> memref<200x128xf32, #tpu.memory_space<hbm>>
    tpu.enqueue_dma source(%arg7 : memref<200x128xf32, #tpu.memory_space<vmem>>) target(%dma_start3A_44 : memref<200x128xf32, #tpu.memory_space<hbm>>) target_semaphore(%arg15 : memref<!tpu.dma_semaphore, #tpu.memory_space<semaphore_mem>>)
    %dma_wait3A_45 = arith.constant 0 : i32
    %dma_wait3A_46 = arith.constant 0 : i32
    %dma_wait3A_47 = tpu.memref_slice %arg3[%dma_wait3A_45, %dma_wait3A_46] : memref<100000x128xf32, #tpu.memory_space<hbm>> -> memref<200x128xf32, #tpu.memory_space<hbm>>
    %dma_wait3A_48 = arith.constant 0 : i32
    %dma_wait3A_49 = arith.constant 0 : i32
    %dma_wait3A_50 = tpu.memref_slice %arg3[%dma_wait3A_48, %dma_wait3A_49] : memref<100000x128xf32, #tpu.memory_space<hbm>> -> memref<200x128xf32, #tpu.memory_space<hbm>>
    tpu.wait_dma2 semaphore(%arg14 : memref<!tpu.dma_semaphore, #tpu.memory_space<semaphore_mem>>) src(%dma_wait3A_50 : memref<200x128xf32, #tpu.memory_space<hbm>>) dst(%arg6 : memref<200x128xf32, #tpu.memory_space<vmem>>)
    %dma_start3A_51 = arith.constant 800 : i32
    %dma_start3A_52 = tpu.memref_slice %arg5[%dma_start3A_51] : memref<6400xi32, #tpu.memory_space<vmem>> -> memref<200xi32, #tpu.memory_space<vmem>>
    %dma_start3A_53 = arith.constant 0 : i32
    %dma_start3A_54 = arith.constant 0 : i32
    %dma_start3A_55 = tpu.memref_slice %arg3[%dma_start3A_53, %dma_start3A_54] : memref<100000x128xf32, #tpu.memory_space<hbm>> -> memref<100000x128xf32, #tpu.memory_space<hbm>>
    tpu.enqueue_indirect_dma source(%dma_start3A_55 : memref<100000x128xf32, #tpu.memory_space<hbm>>) target(%arg6 : memref<200x128xf32, #tpu.memory_space<vmem>>) offsets(%dma_start3A_52 : memref<200xi32, #tpu.memory_space<vmem>>) semaphore(%arg10 : memref<!tpu.dma_semaphore, #tpu.memory_space<semaphore_mem>>)
    %dma_wait3A_56 = arith.constant 0 : i32
    %dma_wait3A_57 = arith.constant 0 : i32
    %dma_wait3A_58 = tpu.memref_slice %arg3[%dma_wait3A_56, %dma_wait3A_57] : memref<100000x128xf32, #tpu.memory_space<hbm>> -> memref<200x128xf32, #tpu.memory_space<hbm>>
    %dma_wait3A_59 = arith.constant 0 : i32
    %dma_wait3A_60 = arith.constant 0 : i32
    %dma_wait3A_61 = tpu.memref_slice %arg3[%dma_wait3A_59, %dma_wait3A_60] : memref<100000x128xf32, #tpu.memory_space<hbm>> -> memref<200x128xf32, #tpu.memory_space<hbm>>
    tpu.wait_dma2 semaphore(%arg12 : memref<!tpu.dma_semaphore, #tpu.memory_space<semaphore_mem>>) src(%dma_wait3A_61 : memref<200x128xf32, #tpu.memory_space<hbm>>) dst(%arg8 : memref<200x128xf32, #tpu.memory_space<vmem>>)
    %add3A_62 = arith.constant 400 : i32
    %add3A_63 = arith.addi %mul3A_2, %add3A_62 : i32
    %dma_start3A_64 = arith.constant 0 : i32
    %dma_start3A_65 = tpu.memref_slice %arg4[%add3A_63, %dma_start3A_64] : memref<204800x128xf32, #tpu.memory_space<hbm>> -> memref<200x128xf32, #tpu.memory_space<hbm>>
    %dma_start3A_66 = arith.constant 0 : i32
    %dma_start3A_67 = tpu.memref_slice %arg4[%add3A_63, %dma_start3A_66] : memref<204800x128xf32, #tpu.memory_space<hbm>> -> memref<200x128xf32, #tpu.memory_space<hbm>>
    tpu.enqueue_dma source(%arg8 : memref<200x128xf32, #tpu.memory_space<vmem>>) target(%dma_start3A_67 : memref<200x128xf32, #tpu.memory_space<hbm>>) target_semaphore(%arg16 : memref<!tpu.dma_semaphore, #tpu.memory_space<semaphore_mem>>)
    %dma_wait3A_68 = arith.constant 0 : i32
    %dma_wait3A_69 = arith.constant 0 : i32
    %dma_wait3A_70 = tpu.memref_slice %arg3[%dma_wait3A_68, %dma_wait3A_69] : memref<100000x128xf32, #tpu.memory_space<hbm>> -> memref<200x128xf32, #tpu.memory_space<hbm>>
    %dma_wait3A_71 = arith.constant 0 : i32
    %dma_wait3A_72 = arith.constant 0 : i32
    %dma_wait3A_73 = tpu.memref_slice %arg3[%dma_wait3A_71, %dma_wait3A_72] : memref<100000x128xf32, #tpu.memory_space<hbm>> -> memref<200x128xf32, #tpu.memory_space<hbm>>
    tpu.wait_dma2 semaphore(%arg15 : memref<!tpu.dma_semaphore, #tpu.memory_space<semaphore_mem>>) src(%dma_wait3A_73 : memref<200x128xf32, #tpu.memory_space<hbm>>) dst(%arg7 : memref<200x128xf32, #tpu.memory_space<vmem>>)
    %dma_start3A_74 = arith.constant 1000 : i32
    %dma_start3A_75 = tpu.memref_slice %arg5[%dma_start3A_74] : memref<6400xi32, #tpu.memory_space<vmem>> -> memref<200xi32, #tpu.memory_space<vmem>>
    %dma_start3A_76 = arith.constant 0 : i32
    %dma_start3A_77 = arith.constant 0 : i32
    %dma_start3A_78 = tpu.memref_slice %arg3[%dma_start3A_76, %dma_start3A_77] : memref<100000x128xf32, #tpu.memory_space<hbm>> -> memref<100000x128xf32, #tpu.memory_space<hbm>>
    tpu.enqueue_indirect_dma source(%dma_start3A_78 : memref<100000x128xf32, #tpu.memory_space<hbm>>) target(%arg7 : memref<200x128xf32, #tpu.memory_space<vmem>>) offsets(%dma_start3A_75 : memref<200xi32, #tpu.memory_space<vmem>>) semaphore(%arg11 : memref<!tpu.dma_semaphore, #tpu.memory_space<semaphore_mem>>)
    %dma_wait3A_79 = arith.constant 0 : i32
    %dma_wait3A_80 = arith.constant 0 : i32
    %dma_wait3A_81 = tpu.memref_slice %arg3[%dma_wait3A_79, %dma_wait3A_80] : memref<100000x128xf32, #tpu.memory_space<hbm>> -> memref<200x128xf32, #tpu.memory_space<hbm>>
    %dma_wait3A_82 = arith.constant 0 : i32
    %dma_wait3A_83 = arith.constant 0 : i32
    %dma_wait3A_84 = tpu.memref_slice %arg3[%dma_wait3A_82, %dma_wait3A_83] : memref<100000x128xf32, #tpu.memory_space<hbm>> -> memref<200x128xf32, #tpu.memory_space<hbm>>
    tpu.wait_dma2 semaphore(%arg13 : memref<!tpu.dma_semaphore, #tpu.memory_space<semaphore_mem>>) src(%dma_wait3A_84 : memref<200x128xf32, #tpu.memory_space<hbm>>) dst(%arg9 : memref<200x128xf32, #tpu.memory_space<vmem>>)
    %add3A_85 = arith.constant 600 : i32
    %add3A_86 = arith.addi %mul3A_2, %add3A_85 : i32
    %dma_start3A_87 = arith.constant 0 : i32
    %dma_start3A_88 = tpu.memref_slice %arg4[%add3A_86, %dma_start3A_87] : memref<204800x128xf32, #tpu.memory_space<hbm>> -> memref<200x128xf32, #tpu.memory_space<hbm>>
    %dma_start3A_89 = arith.constant 0 : i32
    %dma_start3A_90 = tpu.memref_slice %arg4[%add3A_86, %dma_start3A_89] : memref<204800x128xf32, #tpu.memory_space<hbm>> -> memref<200x128xf32, #tpu.memory_space<hbm>>
    tpu.enqueue_dma source(%arg9 : memref<200x128xf32, #tpu.memory_space<vmem>>) target(%dma_start3A_90 : memref<200x128xf32, #tpu.memory_space<hbm>>) target_semaphore(%arg17 : memref<!tpu.dma_semaphore, #tpu.memory_space<semaphore_mem>>)
    %scan3A = arith.constant 0 : i32
    %scan3A_91 = arith.constant 1 : i32
    %scan3A_92 = arith.constant 6 : i32
    %scan3A_93 = arith.addi %scan3A_91, %scan3A_92 : i32
    %scan3A_94 = arith.constant 1 : i32
    scf.for %scan3A_190 = %scan3A_91 to %scan3A_93 step %scan3A_94  : i32 {
      %mul3A_191 = arith.constant 4 : i32
      %mul3A_192 = arith.muli %scan3A_190, %mul3A_191 : i32
      %add3A_193 = arith.constant 0 : i32
      %add3A_194 = arith.addi %mul3A_192, %add3A_193 : i32
      %dma_wait3A_195 = arith.constant 0 : i32
      %dma_wait3A_196 = arith.constant 0 : i32
      %dma_wait3A_197 = tpu.memref_slice %arg3[%dma_wait3A_195, %dma_wait3A_196] : memref<100000x128xf32, #tpu.memory_space<hbm>> -> memref<200x128xf32, #tpu.memory_space<hbm>>
      %dma_wait3A_198 = arith.constant 0 : i32
      %dma_wait3A_199 = arith.constant 0 : i32
      %dma_wait3A_200 = tpu.memref_slice %arg3[%dma_wait3A_198, %dma_wait3A_199] : memref<100000x128xf32, #tpu.memory_space<hbm>> -> memref<200x128xf32, #tpu.memory_space<hbm>>
      tpu.wait_dma2 semaphore(%arg16 : memref<!tpu.dma_semaphore, #tpu.memory_space<semaphore_mem>>) src(%dma_wait3A_200 : memref<200x128xf32, #tpu.memory_space<hbm>>) dst(%arg8 : memref<200x128xf32, #tpu.memory_space<vmem>>)
      %add3A_201 = arith.constant 2 : i32
      %add3A_202 = arith.addi %add3A_194, %add3A_201 : i32
      %mul3A_203 = arith.constant 200 : i32
      %mul3A_204 = arith.muli %add3A_202, %mul3A_203 : i32
      %dma_start3A_205 = tpu.memref_slice %arg5[%mul3A_204] : memref<6400xi32, #tpu.memory_space<vmem>> -> memref<200xi32, #tpu.memory_space<vmem>>
      %dma_start3A_206 = arith.constant 0 : i32
      %dma_start3A_207 = arith.constant 0 : i32
      %dma_start3A_208 = tpu.memref_slice %arg3[%dma_start3A_206, %dma_start3A_207] : memref<100000x128xf32, #tpu.memory_space<hbm>> -> memref<100000x128xf32, #tpu.memory_space<hbm>>
      tpu.enqueue_indirect_dma source(%dma_start3A_208 : memref<100000x128xf32, #tpu.memory_space<hbm>>) target(%arg8 : memref<200x128xf32, #tpu.memory_space<vmem>>) offsets(%dma_start3A_205 : memref<200xi32, #tpu.memory_space<vmem>>) semaphore(%arg12 : memref<!tpu.dma_semaphore, #tpu.memory_space<semaphore_mem>>)
      %dma_wait3A_209 = arith.constant 0 : i32
      %dma_wait3A_210 = arith.constant 0 : i32
      %dma_wait3A_211 = tpu.memref_slice %arg3[%dma_wait3A_209, %dma_wait3A_210] : memref<100000x128xf32, #tpu.memory_space<hbm>> -> memref<200x128xf32, #tpu.memory_space<hbm>>
      %dma_wait3A_212 = arith.constant 0 : i32
      %dma_wait3A_213 = arith.constant 0 : i32
      %dma_wait3A_214 = tpu.memref_slice %arg3[%dma_wait3A_212, %dma_wait3A_213] : memref<100000x128xf32, #tpu.memory_space<hbm>> -> memref<200x128xf32, #tpu.memory_space<hbm>>
      tpu.wait_dma2 semaphore(%arg10 : memref<!tpu.dma_semaphore, #tpu.memory_space<semaphore_mem>>) src(%dma_wait3A_214 : memref<200x128xf32, #tpu.memory_space<hbm>>) dst(%arg6 : memref<200x128xf32, #tpu.memory_space<vmem>>)
      %mul3A_215 = arith.constant 200 : i32
      %mul3A_216 = arith.muli %add3A_194, %mul3A_215 : i32
      %add3A_217 = arith.addi %mul3A_2, %mul3A_216 : i32
      %dma_start3A_218 = arith.constant 0 : i32
      %dma_start3A_219 = tpu.memref_slice %arg4[%add3A_217, %dma_start3A_218] : memref<204800x128xf32, #tpu.memory_space<hbm>> -> memref<200x128xf32, #tpu.memory_space<hbm>>
      %dma_start3A_220 = arith.constant 0 : i32
      %dma_start3A_221 = tpu.memref_slice %arg4[%add3A_217, %dma_start3A_220] : memref<204800x128xf32, #tpu.memory_space<hbm>> -> memref<200x128xf32, #tpu.memory_space<hbm>>
      tpu.enqueue_dma source(%arg6 : memref<200x128xf32, #tpu.memory_space<vmem>>) target(%dma_start3A_221 : memref<200x128xf32, #tpu.memory_space<hbm>>) target_semaphore(%arg14 : memref<!tpu.dma_semaphore, #tpu.memory_space<semaphore_mem>>)
      %add3A_222 = arith.constant 1 : i32
      %add3A_223 = arith.addi %mul3A_192, %add3A_222 : i32
      %dma_wait3A_224 = arith.constant 0 : i32
      %dma_wait3A_225 = arith.constant 0 : i32
      %dma_wait3A_226 = tpu.memref_slice %arg3[%dma_wait3A_224, %dma_wait3A_225] : memref<100000x128xf32, #tpu.memory_space<hbm>> -> memref<200x128xf32, #tpu.memory_space<hbm>>
      %dma_wait3A_227 = arith.constant 0 : i32
      %dma_wait3A_228 = arith.constant 0 : i32
      %dma_wait3A_229 = tpu.memref_slice %arg3[%dma_wait3A_227, %dma_wait3A_228] : memref<100000x128xf32, #tpu.memory_space<hbm>> -> memref<200x128xf32, #tpu.memory_space<hbm>>
      tpu.wait_dma2 semaphore(%arg17 : memref<!tpu.dma_semaphore, #tpu.memory_space<semaphore_mem>>) src(%dma_wait3A_229 : memref<200x128xf32, #tpu.memory_space<hbm>>) dst(%arg9 : memref<200x128xf32, #tpu.memory_space<vmem>>)
      %add3A_230 = arith.constant 2 : i32
      %add3A_231 = arith.addi %add3A_223, %add3A_230 : i32
      %mul3A_232 = arith.constant 200 : i32
      %mul3A_233 = arith.muli %add3A_231, %mul3A_232 : i32
      %dma_start3A_234 = tpu.memref_slice %arg5[%mul3A_233] : memref<6400xi32, #tpu.memory_space<vmem>> -> memref<200xi32, #tpu.memory_space<vmem>>
      %dma_start3A_235 = arith.constant 0 : i32
      %dma_start3A_236 = arith.constant 0 : i32
      %dma_start3A_237 = tpu.memref_slice %arg3[%dma_start3A_235, %dma_start3A_236] : memref<100000x128xf32, #tpu.memory_space<hbm>> -> memref<100000x128xf32, #tpu.memory_space<hbm>>
      tpu.enqueue_indirect_dma source(%dma_start3A_237 : memref<100000x128xf32, #tpu.memory_space<hbm>>) target(%arg9 : memref<200x128xf32, #tpu.memory_space<vmem>>) offsets(%dma_start3A_234 : memref<200xi32, #tpu.memory_space<vmem>>) semaphore(%arg13 : memref<!tpu.dma_semaphore, #tpu.memory_space<semaphore_mem>>)
      %dma_wait3A_238 = arith.constant 0 : i32
      %dma_wait3A_239 = arith.constant 0 : i32
      %dma_wait3A_240 = tpu.memref_slice %arg3[%dma_wait3A_238, %dma_wait3A_239] : memref<100000x128xf32, #tpu.memory_space<hbm>> -> memref<200x128xf32, #tpu.memory_space<hbm>>
      %dma_wait3A_241 = arith.constant 0 : i32
      %dma_wait3A_242 = arith.constant 0 : i32
      %dma_wait3A_243 = tpu.memref_slice %arg3[%dma_wait3A_241, %dma_wait3A_242] : memref<100000x128xf32, #tpu.memory_space<hbm>> -> memref<200x128xf32, #tpu.memory_space<hbm>>
      tpu.wait_dma2 semaphore(%arg11 : memref<!tpu.dma_semaphore, #tpu.memory_space<semaphore_mem>>) src(%dma_wait3A_243 : memref<200x128xf32, #tpu.memory_space<hbm>>) dst(%arg7 : memref<200x128xf32, #tpu.memory_space<vmem>>)
      %mul3A_244 = arith.constant 200 : i32
      %mul3A_245 = arith.muli %add3A_223, %mul3A_244 : i32
      %add3A_246 = arith.addi %mul3A_2, %mul3A_245 : i32
      %dma_start3A_247 = arith.constant 0 : i32
      %dma_start3A_248 = tpu.memref_slice %arg4[%add3A_246, %dma_start3A_247] : memref<204800x128xf32, #tpu.memory_space<hbm>> -> memref<200x128xf32, #tpu.memory_space<hbm>>
      %dma_start3A_249 = arith.constant 0 : i32
      %dma_start3A_250 = tpu.memref_slice %arg4[%add3A_246, %dma_start3A_249] : memref<204800x128xf32, #tpu.memory_space<hbm>> -> memref<200x128xf32, #tpu.memory_space<hbm>>
      tpu.enqueue_dma source(%arg7 : memref<200x128xf32, #tpu.memory_space<vmem>>) target(%dma_start3A_250 : memref<200x128xf32, #tpu.memory_space<hbm>>) target_semaphore(%arg15 : memref<!tpu.dma_semaphore, #tpu.memory_space<semaphore_mem>>)
      %add3A_251 = arith.constant 2 : i32
      %add3A_252 = arith.addi %mul3A_192, %add3A_251 : i32
      %dma_wait3A_253 = arith.constant 0 : i32
      %dma_wait3A_254 = arith.constant 0 : i32
      %dma_wait3A_255 = tpu.memref_slice %arg3[%dma_wait3A_253, %dma_wait3A_254] : memref<100000x128xf32, #tpu.memory_space<hbm>> -> memref<200x128xf32, #tpu.memory_space<hbm>>
      %dma_wait3A_256 = arith.constant 0 : i32
      %dma_wait3A_257 = arith.constant 0 : i32
      %dma_wait3A_258 = tpu.memref_slice %arg3[%dma_wait3A_256, %dma_wait3A_257] : memref<100000x128xf32, #tpu.memory_space<hbm>> -> memref<200x128xf32, #tpu.memory_space<hbm>>
      tpu.wait_dma2 semaphore(%arg14 : memref<!tpu.dma_semaphore, #tpu.memory_space<semaphore_mem>>) src(%dma_wait3A_258 : memref<200x128xf32, #tpu.memory_space<hbm>>) dst(%arg6 : memref<200x128xf32, #tpu.memory_space<vmem>>)
      %add3A_259 = arith.constant 2 : i32
      %add3A_260 = arith.addi %add3A_252, %add3A_259 : i32
      %mul3A_261 = arith.constant 200 : i32
      %mul3A_262 = arith.muli %add3A_260, %mul3A_261 : i32
      %dma_start3A_263 = tpu.memref_slice %arg5[%mul3A_262] : memref<6400xi32, #tpu.memory_space<vmem>> -> memref<200xi32, #tpu.memory_space<vmem>>
      %dma_start3A_264 = arith.constant 0 : i32
      %dma_start3A_265 = arith.constant 0 : i32
      %dma_start3A_266 = tpu.memref_slice %arg3[%dma_start3A_264, %dma_start3A_265] : memref<100000x128xf32, #tpu.memory_space<hbm>> -> memref<100000x128xf32, #tpu.memory_space<hbm>>
      tpu.enqueue_indirect_dma source(%dma_start3A_266 : memref<100000x128xf32, #tpu.memory_space<hbm>>) target(%arg6 : memref<200x128xf32, #tpu.memory_space<vmem>>) offsets(%dma_start3A_263 : memref<200xi32, #tpu.memory_space<vmem>>) semaphore(%arg10 : memref<!tpu.dma_semaphore, #tpu.memory_space<semaphore_mem>>)
      %dma_wait3A_267 = arith.constant 0 : i32
      %dma_wait3A_268 = arith.constant 0 : i32
      %dma_wait3A_269 = tpu.memref_slice %arg3[%dma_wait3A_267, %dma_wait3A_268] : memref<100000x128xf32, #tpu.memory_space<hbm>> -> memref<200x128xf32, #tpu.memory_space<hbm>>
      %dma_wait3A_270 = arith.constant 0 : i32
      %dma_wait3A_271 = arith.constant 0 : i32
      %dma_wait3A_272 = tpu.memref_slice %arg3[%dma_wait3A_270, %dma_wait3A_271] : memref<100000x128xf32, #tpu.memory_space<hbm>> -> memref<200x128xf32, #tpu.memory_space<hbm>>
      tpu.wait_dma2 semaphore(%arg12 : memref<!tpu.dma_semaphore, #tpu.memory_space<semaphore_mem>>) src(%dma_wait3A_272 : memref<200x128xf32, #tpu.memory_space<hbm>>) dst(%arg8 : memref<200x128xf32, #tpu.memory_space<vmem>>)
      %mul3A_273 = arith.constant 200 : i32
      %mul3A_274 = arith.muli %add3A_252, %mul3A_273 : i32
      %add3A_275 = arith.addi %mul3A_2, %mul3A_274 : i32
      %dma_start3A_276 = arith.constant 0 : i32
      %dma_start3A_277 = tpu.memref_slice %arg4[%add3A_275, %dma_start3A_276] : memref<204800x128xf32, #tpu.memory_space<hbm>> -> memref<200x128xf32, #tpu.memory_space<hbm>>
      %dma_start3A_278 = arith.constant 0 : i32
      %dma_start3A_279 = tpu.memref_slice %arg4[%add3A_275, %dma_start3A_278] : memref<204800x128xf32, #tpu.memory_space<hbm>> -> memref<200x128xf32, #tpu.memory_space<hbm>>
      tpu.enqueue_dma source(%arg8 : memref<200x128xf32, #tpu.memory_space<vmem>>) target(%dma_start3A_279 : memref<200x128xf32, #tpu.memory_space<hbm>>) target_semaphore(%arg16 : memref<!tpu.dma_semaphore, #tpu.memory_space<semaphore_mem>>)
      %add3A_280 = arith.constant 3 : i32
      %add3A_281 = arith.addi %mul3A_192, %add3A_280 : i32
      %dma_wait3A_282 = arith.constant 0 : i32
      %dma_wait3A_283 = arith.constant 0 : i32
      %dma_wait3A_284 = tpu.memref_slice %arg3[%dma_wait3A_282, %dma_wait3A_283] : memref<100000x128xf32, #tpu.memory_space<hbm>> -> memref<200x128xf32, #tpu.memory_space<hbm>>
      %dma_wait3A_285 = arith.constant 0 : i32
      %dma_wait3A_286 = arith.constant 0 : i32
      %dma_wait3A_287 = tpu.memref_slice %arg3[%dma_wait3A_285, %dma_wait3A_286] : memref<100000x128xf32, #tpu.memory_space<hbm>> -> memref<200x128xf32, #tpu.memory_space<hbm>>
      tpu.wait_dma2 semaphore(%arg15 : memref<!tpu.dma_semaphore, #tpu.memory_space<semaphore_mem>>) src(%dma_wait3A_287 : memref<200x128xf32, #tpu.memory_space<hbm>>) dst(%arg7 : memref<200x128xf32, #tpu.memory_space<vmem>>)
      %add3A_288 = arith.constant 2 : i32
      %add3A_289 = arith.addi %add3A_281, %add3A_288 : i32
      %mul3A_290 = arith.constant 200 : i32
      %mul3A_291 = arith.muli %add3A_289, %mul3A_290 : i32
      %dma_start3A_292 = tpu.memref_slice %arg5[%mul3A_291] : memref<6400xi32, #tpu.memory_space<vmem>> -> memref<200xi32, #tpu.memory_space<vmem>>
      %dma_start3A_293 = arith.constant 0 : i32
      %dma_start3A_294 = arith.constant 0 : i32
      %dma_start3A_295 = tpu.memref_slice %arg3[%dma_start3A_293, %dma_start3A_294] : memref<100000x128xf32, #tpu.memory_space<hbm>> -> memref<100000x128xf32, #tpu.memory_space<hbm>>
      tpu.enqueue_indirect_dma source(%dma_start3A_295 : memref<100000x128xf32, #tpu.memory_space<hbm>>) target(%arg7 : memref<200x128xf32, #tpu.memory_space<vmem>>) offsets(%dma_start3A_292 : memref<200xi32, #tpu.memory_space<vmem>>) semaphore(%arg11 : memref<!tpu.dma_semaphore, #tpu.memory_space<semaphore_mem>>)
      %dma_wait3A_296 = arith.constant 0 : i32
      %dma_wait3A_297 = arith.constant 0 : i32
      %dma_wait3A_298 = tpu.memref_slice %arg3[%dma_wait3A_296, %dma_wait3A_297] : memref<100000x128xf32, #tpu.memory_space<hbm>> -> memref<200x128xf32, #tpu.memory_space<hbm>>
      %dma_wait3A_299 = arith.constant 0 : i32
      %dma_wait3A_300 = arith.constant 0 : i32
      %dma_wait3A_301 = tpu.memref_slice %arg3[%dma_wait3A_299, %dma_wait3A_300] : memref<100000x128xf32, #tpu.memory_space<hbm>> -> memref<200x128xf32, #tpu.memory_space<hbm>>
      tpu.wait_dma2 semaphore(%arg13 : memref<!tpu.dma_semaphore, #tpu.memory_space<semaphore_mem>>) src(%dma_wait3A_301 : memref<200x128xf32, #tpu.memory_space<hbm>>) dst(%arg9 : memref<200x128xf32, #tpu.memory_space<vmem>>)
      %mul3A_302 = arith.constant 200 : i32
      %mul3A_303 = arith.muli %add3A_281, %mul3A_302 : i32
      %add3A_304 = arith.addi %mul3A_2, %mul3A_303 : i32
      %dma_start3A_305 = arith.constant 0 : i32
      %dma_start3A_306 = tpu.memref_slice %arg4[%add3A_304, %dma_start3A_305] : memref<204800x128xf32, #tpu.memory_space<hbm>> -> memref<200x128xf32, #tpu.memory_space<hbm>>
      %dma_start3A_307 = arith.constant 0 : i32
      %dma_start3A_308 = tpu.memref_slice %arg4[%add3A_304, %dma_start3A_307] : memref<204800x128xf32, #tpu.memory_space<hbm>> -> memref<200x128xf32, #tpu.memory_space<hbm>>
      tpu.enqueue_dma source(%arg9 : memref<200x128xf32, #tpu.memory_space<vmem>>) target(%dma_start3A_308 : memref<200x128xf32, #tpu.memory_space<hbm>>) target_semaphore(%arg17 : memref<!tpu.dma_semaphore, #tpu.memory_space<semaphore_mem>>)
    }
    %scan3A_95 = arith.constant 6 : i32
    %dma_wait3A_96 = arith.constant 0 : i32
    %dma_wait3A_97 = arith.constant 0 : i32
    %dma_wait3A_98 = tpu.memref_slice %arg3[%dma_wait3A_96, %dma_wait3A_97] : memref<100000x128xf32, #tpu.memory_space<hbm>> -> memref<200x128xf32, #tpu.memory_space<hbm>>
    %dma_wait3A_99 = arith.constant 0 : i32
    %dma_wait3A_100 = arith.constant 0 : i32
    %dma_wait3A_101 = tpu.memref_slice %arg3[%dma_wait3A_99, %dma_wait3A_100] : memref<100000x128xf32, #tpu.memory_space<hbm>> -> memref<200x128xf32, #tpu.memory_space<hbm>>
    tpu.wait_dma2 semaphore(%arg16 : memref<!tpu.dma_semaphore, #tpu.memory_space<semaphore_mem>>) src(%dma_wait3A_101 : memref<200x128xf32, #tpu.memory_space<hbm>>) dst(%arg8 : memref<200x128xf32, #tpu.memory_space<vmem>>)
    %dma_start3A_102 = arith.constant 6000 : i32
    %dma_start3A_103 = tpu.memref_slice %arg5[%dma_start3A_102] : memref<6400xi32, #tpu.memory_space<vmem>> -> memref<200xi32, #tpu.memory_space<vmem>>
    %dma_start3A_104 = arith.constant 0 : i32
    %dma_start3A_105 = arith.constant 0 : i32
    %dma_start3A_106 = tpu.memref_slice %arg3[%dma_start3A_104, %dma_start3A_105] : memref<100000x128xf32, #tpu.memory_space<hbm>> -> memref<100000x128xf32, #tpu.memory_space<hbm>>
    tpu.enqueue_indirect_dma source(%dma_start3A_106 : memref<100000x128xf32, #tpu.memory_space<hbm>>) target(%arg8 : memref<200x128xf32, #tpu.memory_space<vmem>>) offsets(%dma_start3A_103 : memref<200xi32, #tpu.memory_space<vmem>>) semaphore(%arg12 : memref<!tpu.dma_semaphore, #tpu.memory_space<semaphore_mem>>)
    %dma_wait3A_107 = arith.constant 0 : i32
    %dma_wait3A_108 = arith.constant 0 : i32
    %dma_wait3A_109 = tpu.memref_slice %arg3[%dma_wait3A_107, %dma_wait3A_108] : memref<100000x128xf32, #tpu.memory_space<hbm>> -> memref<200x128xf32, #tpu.memory_space<hbm>>
    %dma_wait3A_110 = arith.constant 0 : i32
    %dma_wait3A_111 = arith.constant 0 : i32
    %dma_wait3A_112 = tpu.memref_slice %arg3[%dma_wait3A_110, %dma_wait3A_111] : memref<100000x128xf32, #tpu.memory_space<hbm>> -> memref<200x128xf32, #tpu.memory_space<hbm>>
    tpu.wait_dma2 semaphore(%arg10 : memref<!tpu.dma_semaphore, #tpu.memory_space<semaphore_mem>>) src(%dma_wait3A_112 : memref<200x128xf32, #tpu.memory_space<hbm>>) dst(%arg6 : memref<200x128xf32, #tpu.memory_space<vmem>>)
    %add3A_113 = arith.constant 5600 : i32
    %add3A_114 = arith.addi %mul3A_2, %add3A_113 : i32
    %dma_start3A_115 = arith.constant 0 : i32
    %dma_start3A_116 = tpu.memref_slice %arg4[%add3A_114, %dma_start3A_115] : memref<204800x128xf32, #tpu.memory_space<hbm>> -> memref<200x128xf32, #tpu.memory_space<hbm>>
    %dma_start3A_117 = arith.constant 0 : i32
    %dma_start3A_118 = tpu.memref_slice %arg4[%add3A_114, %dma_start3A_117] : memref<204800x128xf32, #tpu.memory_space<hbm>> -> memref<200x128xf32, #tpu.memory_space<hbm>>
    tpu.enqueue_dma source(%arg6 : memref<200x128xf32, #tpu.memory_space<vmem>>) target(%dma_start3A_118 : memref<200x128xf32, #tpu.memory_space<hbm>>) target_semaphore(%arg14 : memref<!tpu.dma_semaphore, #tpu.memory_space<semaphore_mem>>)
    %dma_wait3A_119 = arith.constant 0 : i32
    %dma_wait3A_120 = arith.constant 0 : i32
    %dma_wait3A_121 = tpu.memref_slice %arg3[%dma_wait3A_119, %dma_wait3A_120] : memref<100000x128xf32, #tpu.memory_space<hbm>> -> memref<200x128xf32, #tpu.memory_space<hbm>>
    %dma_wait3A_122 = arith.constant 0 : i32
    %dma_wait3A_123 = arith.constant 0 : i32
    %dma_wait3A_124 = tpu.memref_slice %arg3[%dma_wait3A_122, %dma_wait3A_123] : memref<100000x128xf32, #tpu.memory_space<hbm>> -> memref<200x128xf32, #tpu.memory_space<hbm>>
    tpu.wait_dma2 semaphore(%arg17 : memref<!tpu.dma_semaphore, #tpu.memory_space<semaphore_mem>>) src(%dma_wait3A_124 : memref<200x128xf32, #tpu.memory_space<hbm>>) dst(%arg9 : memref<200x128xf32, #tpu.memory_space<vmem>>)
    %dma_start3A_125 = arith.constant 6200 : i32
    %dma_start3A_126 = tpu.memref_slice %arg5[%dma_start3A_125] : memref<6400xi32, #tpu.memory_space<vmem>> -> memref<200xi32, #tpu.memory_space<vmem>>
    %dma_start3A_127 = arith.constant 0 : i32
    %dma_start3A_128 = arith.constant 0 : i32
    %dma_start3A_129 = tpu.memref_slice %arg3[%dma_start3A_127, %dma_start3A_128] : memref<100000x128xf32, #tpu.memory_space<hbm>> -> memref<100000x128xf32, #tpu.memory_space<hbm>>
    tpu.enqueue_indirect_dma source(%dma_start3A_129 : memref<100000x128xf32, #tpu.memory_space<hbm>>) target(%arg9 : memref<200x128xf32, #tpu.memory_space<vmem>>) offsets(%dma_start3A_126 : memref<200xi32, #tpu.memory_space<vmem>>) semaphore(%arg13 : memref<!tpu.dma_semaphore, #tpu.memory_space<semaphore_mem>>)
    %dma_wait3A_130 = arith.constant 0 : i32
    %dma_wait3A_131 = arith.constant 0 : i32
    %dma_wait3A_132 = tpu.memref_slice %arg3[%dma_wait3A_130, %dma_wait3A_131] : memref<100000x128xf32, #tpu.memory_space<hbm>> -> memref<200x128xf32, #tpu.memory_space<hbm>>
    %dma_wait3A_133 = arith.constant 0 : i32
    %dma_wait3A_134 = arith.constant 0 : i32
    %dma_wait3A_135 = tpu.memref_slice %arg3[%dma_wait3A_133, %dma_wait3A_134] : memref<100000x128xf32, #tpu.memory_space<hbm>> -> memref<200x128xf32, #tpu.memory_space<hbm>>
    tpu.wait_dma2 semaphore(%arg11 : memref<!tpu.dma_semaphore, #tpu.memory_space<semaphore_mem>>) src(%dma_wait3A_135 : memref<200x128xf32, #tpu.memory_space<hbm>>) dst(%arg7 : memref<200x128xf32, #tpu.memory_space<vmem>>)
    %add3A_136 = arith.constant 5800 : i32
    %add3A_137 = arith.addi %mul3A_2, %add3A_136 : i32
    %dma_start3A_138 = arith.constant 0 : i32
    %dma_start3A_139 = tpu.memref_slice %arg4[%add3A_137, %dma_start3A_138] : memref<204800x128xf32, #tpu.memory_space<hbm>> -> memref<200x128xf32, #tpu.memory_space<hbm>>
    %dma_start3A_140 = arith.constant 0 : i32
    %dma_start3A_141 = tpu.memref_slice %arg4[%add3A_137, %dma_start3A_140] : memref<204800x128xf32, #tpu.memory_space<hbm>> -> memref<200x128xf32, #tpu.memory_space<hbm>>
    tpu.enqueue_dma source(%arg7 : memref<200x128xf32, #tpu.memory_space<vmem>>) target(%dma_start3A_141 : memref<200x128xf32, #tpu.memory_space<hbm>>) target_semaphore(%arg15 : memref<!tpu.dma_semaphore, #tpu.memory_space<semaphore_mem>>)
    %dma_wait3A_142 = arith.constant 0 : i32
    %dma_wait3A_143 = arith.constant 0 : i32
    %dma_wait3A_144 = tpu.memref_slice %arg3[%dma_wait3A_142, %dma_wait3A_143] : memref<100000x128xf32, #tpu.memory_space<hbm>> -> memref<200x128xf32, #tpu.memory_space<hbm>>
    %dma_wait3A_145 = arith.constant 0 : i32
    %dma_wait3A_146 = arith.constant 0 : i32
    %dma_wait3A_147 = tpu.memref_slice %arg3[%dma_wait3A_145, %dma_wait3A_146] : memref<100000x128xf32, #tpu.memory_space<hbm>> -> memref<200x128xf32, #tpu.memory_space<hbm>>
    tpu.wait_dma2 semaphore(%arg12 : memref<!tpu.dma_semaphore, #tpu.memory_space<semaphore_mem>>) src(%dma_wait3A_147 : memref<200x128xf32, #tpu.memory_space<hbm>>) dst(%arg8 : memref<200x128xf32, #tpu.memory_space<vmem>>)
    %add3A_148 = arith.constant 6000 : i32
    %add3A_149 = arith.addi %mul3A_2, %add3A_148 : i32
    %dma_start3A_150 = arith.constant 0 : i32
    %dma_start3A_151 = tpu.memref_slice %arg4[%add3A_149, %dma_start3A_150] : memref<204800x128xf32, #tpu.memory_space<hbm>> -> memref<200x128xf32, #tpu.memory_space<hbm>>
    %dma_start3A_152 = arith.constant 0 : i32
    %dma_start3A_153 = tpu.memref_slice %arg4[%add3A_149, %dma_start3A_152] : memref<204800x128xf32, #tpu.memory_space<hbm>> -> memref<200x128xf32, #tpu.memory_space<hbm>>
    tpu.enqueue_dma source(%arg8 : memref<200x128xf32, #tpu.memory_space<vmem>>) target(%dma_start3A_153 : memref<200x128xf32, #tpu.memory_space<hbm>>) target_semaphore(%arg16 : memref<!tpu.dma_semaphore, #tpu.memory_space<semaphore_mem>>)
    %dma_wait3A_154 = arith.constant 0 : i32
    %dma_wait3A_155 = arith.constant 0 : i32
    %dma_wait3A_156 = tpu.memref_slice %arg3[%dma_wait3A_154, %dma_wait3A_155] : memref<100000x128xf32, #tpu.memory_space<hbm>> -> memref<200x128xf32, #tpu.memory_space<hbm>>
    %dma_wait3A_157 = arith.constant 0 : i32
    %dma_wait3A_158 = arith.constant 0 : i32
    %dma_wait3A_159 = tpu.memref_slice %arg3[%dma_wait3A_157, %dma_wait3A_158] : memref<100000x128xf32, #tpu.memory_space<hbm>> -> memref<200x128xf32, #tpu.memory_space<hbm>>
    tpu.wait_dma2 semaphore(%arg13 : memref<!tpu.dma_semaphore, #tpu.memory_space<semaphore_mem>>) src(%dma_wait3A_159 : memref<200x128xf32, #tpu.memory_space<hbm>>) dst(%arg9 : memref<200x128xf32, #tpu.memory_space<vmem>>)
    %add3A_160 = arith.constant 6200 : i32
    %add3A_161 = arith.addi %mul3A_2, %add3A_160 : i32
    %dma_start3A_162 = arith.constant 0 : i32
    %dma_start3A_163 = tpu.memref_slice %arg4[%add3A_161, %dma_start3A_162] : memref<204800x128xf32, #tpu.memory_space<hbm>> -> memref<200x128xf32, #tpu.memory_space<hbm>>
    %dma_start3A_164 = arith.constant 0 : i32
    %dma_start3A_165 = tpu.memref_slice %arg4[%add3A_161, %dma_start3A_164] : memref<204800x128xf32, #tpu.memory_space<hbm>> -> memref<200x128xf32, #tpu.memory_space<hbm>>
    tpu.enqueue_dma source(%arg9 : memref<200x128xf32, #tpu.memory_space<vmem>>) target(%dma_start3A_165 : memref<200x128xf32, #tpu.memory_space<hbm>>) target_semaphore(%arg17 : memref<!tpu.dma_semaphore, #tpu.memory_space<semaphore_mem>>)
    %dma_wait3A_166 = arith.constant 0 : i32
    %dma_wait3A_167 = arith.constant 0 : i32
    %dma_wait3A_168 = tpu.memref_slice %arg3[%dma_wait3A_166, %dma_wait3A_167] : memref<100000x128xf32, #tpu.memory_space<hbm>> -> memref<200x128xf32, #tpu.memory_space<hbm>>
    %dma_wait3A_169 = arith.constant 0 : i32
    %dma_wait3A_170 = arith.constant 0 : i32
    %dma_wait3A_171 = tpu.memref_slice %arg3[%dma_wait3A_169, %dma_wait3A_170] : memref<100000x128xf32, #tpu.memory_space<hbm>> -> memref<200x128xf32, #tpu.memory_space<hbm>>
    tpu.wait_dma2 semaphore(%arg14 : memref<!tpu.dma_semaphore, #tpu.memory_space<semaphore_mem>>) src(%dma_wait3A_171 : memref<200x128xf32, #tpu.memory_space<hbm>>) dst(%arg6 : memref<200x128xf32, #tpu.memory_space<vmem>>)
    %dma_wait3A_172 = arith.constant 0 : i32
    %dma_wait3A_173 = arith.constant 0 : i32
    %dma_wait3A_174 = tpu.memref_slice %arg3[%dma_wait3A_172, %dma_wait3A_173] : memref<100000x128xf32, #tpu.memory_space<hbm>> -> memref<200x128xf32, #tpu.memory_space<hbm>>
    %dma_wait3A_175 = arith.constant 0 : i32
    %dma_wait3A_176 = arith.constant 0 : i32
    %dma_wait3A_177 = tpu.memref_slice %arg3[%dma_wait3A_175, %dma_wait3A_176] : memref<100000x128xf32, #tpu.memory_space<hbm>> -> memref<200x128xf32, #tpu.memory_space<hbm>>
    tpu.wait_dma2 semaphore(%arg15 : memref<!tpu.dma_semaphore, #tpu.memory_space<semaphore_mem>>) src(%dma_wait3A_177 : memref<200x128xf32, #tpu.memory_space<hbm>>) dst(%arg7 : memref<200x128xf32, #tpu.memory_space<vmem>>)
    %dma_wait3A_178 = arith.constant 0 : i32
    %dma_wait3A_179 = arith.constant 0 : i32
    %dma_wait3A_180 = tpu.memref_slice %arg3[%dma_wait3A_178, %dma_wait3A_179] : memref<100000x128xf32, #tpu.memory_space<hbm>> -> memref<200x128xf32, #tpu.memory_space<hbm>>
    %dma_wait3A_181 = arith.constant 0 : i32
    %dma_wait3A_182 = arith.constant 0 : i32
    %dma_wait3A_183 = tpu.memref_slice %arg3[%dma_wait3A_181, %dma_wait3A_182] : memref<100000x128xf32, #tpu.memory_space<hbm>> -> memref<200x128xf32, #tpu.memory_space<hbm>>
    tpu.wait_dma2 semaphore(%arg16 : memref<!tpu.dma_semaphore, #tpu.memory_space<semaphore_mem>>) src(%dma_wait3A_183 : memref<200x128xf32, #tpu.memory_space<hbm>>) dst(%arg8 : memref<200x128xf32, #tpu.memory_space<vmem>>)
    %dma_wait3A_184 = arith.constant 0 : i32
    %dma_wait3A_185 = arith.constant 0 : i32
    %dma_wait3A_186 = tpu.memref_slice %arg3[%dma_wait3A_184, %dma_wait3A_185] : memref<100000x128xf32, #tpu.memory_space<hbm>> -> memref<200x128xf32, #tpu.memory_space<hbm>>
    %dma_wait3A_187 = arith.constant 0 : i32
    %dma_wait3A_188 = arith.constant 0 : i32
    %dma_wait3A_189 = tpu.memref_slice %arg3[%dma_wait3A_187, %dma_wait3A_188] : memref<100000x128xf32, #tpu.memory_space<hbm>> -> memref<200x128xf32, #tpu.memory_space<hbm>>
    tpu.wait_dma2 semaphore(%arg17 : memref<!tpu.dma_semaphore, #tpu.memory_space<semaphore_mem>>) src(%dma_wait3A_189 : memref<200x128xf32, #tpu.memory_space<hbm>>) dst(%arg9 : memref<200x128xf32, #tpu.memory_space<vmem>>)
    return
  }
}

</mosaic_0001>

<sc_bundles>
// kernel: _embed.3.cloned.1.call-start
scs
__scs_entry_jumppad:
0x0: {  	(pc) =	sbr.rel $0x88, $3  }
0x1: {  	(tag) =	ssettag $0x0;
	lr =	simm.s32 $0x1  }
0x2: {  	[smem:$0x3F9F] =	sst lr;
	_ =	strace $0xD0000000  }
0x3: {  	_ = 	snop  }
0x4: {  	_ = 	snop  }
0x5: {  	_ = 	snop  }
0x6: {  	_ = 	snop  }
0x7: {  	_ = 	snop  }
__scs_overlays_trampoline_lowered:
0x8: {  	[smem:$0x3FAE] =	sst s0  }
0x9: {  	[smem:$0x3FAF] =	sst s1  }
0xa: {  	[smem:$0x3FB0] =	sst s2  }
0xb: {  	[smem:$0x3FB1] =	sst s3  }
0xc: {  	[smem:$0x3FB2] =	sst s4  }
0xd: {  	[smem:$0x3FB3] =	sst s5  }
0xe: {  	[smem:$0x3FB4] =	sst s6  }
0xf: {  	[smem:$0x3FB5] =	sst s7  }
0x10: {  	[smem:$0x3FB6] =	sst s8  }
0x11: {  	[smem:$0x3FB7] =	sst s9;
	s0 =	simm.s32 @!p0 $0x0  }
0x12: {  	s1 =	sld [smem:$0x3F9D];
	s0 =	simm.s32 @p0 $0x1  }
0x13: {  	[smem:$0x3FB8] =	sst s0;
	s0 =	simm.s32 @!p1 $0x0  }
0x14: {  	s2 =	sld [smem:$0x3F9C];
	s0 =	simm.s32 @p1 $0x1  }
0x15: {  	[smem:$0x3FB9] =	sst s0;
	s0 =	simm.s32 @!p2 $0x0  }
0x16: {  	s3 =	sld [smem:$0x3FDB];
	s0 =	simm.s32 @p2 $0x1  }
0x17: {  	s4 =	simm.s32 $0x1BF5;
	[smem:$0x3FBB] =	sst s0  }
0x18: {  	s0 =	sld [smem:$0x3F9E];
	_ =	swait.ge [sflag:s4], $0x0  }
0x19: {  	s7 =	sld [smem:$0x3F9F]  }
0x1a: {  	s8 =	sadd.s32 $0xFFFFE003, lr  }
0x1b: {  	s9 =	sadd.s32 $0xFFFFFEF7, lr;
	s5 =	simm.s32 $0xFFFFFFFF;
	p2 =	slt.u32 s8, $0xFFFFF086  }
0x1c: {  	p1 =	slt.u32 s9, $0xF7A;
	s5 =	simm.s32 @!p2 $0x0  }
0x1d: {  	s5 =	simm.s32 @p1 $0x1;
	p0 =	seq.s32 s7, s2  }
0x1e: {  	s7 =	smul.u32 @!p0 $0xF7A, s2;
	p2 =	seq.s32 @!p0 s5, $0x0  }
0x1f: {  	s9 =	smul.u32 $0xF7A, s1;
	s8 =	simm.s32 @!p0 $0x1BF5;
	p2 =	por !p2, p0  }
0x20: {  	[sflag:s8] =	ssyncset.s32 @!p0 $0xFFFFF086;
	s6 =	sadd.s32 @!p0 s3, s7;
	s7 =	simm.s32 @!p0 $0x108  }
0x21: {  	s3 =	sadd.s32 s3, s9;
	s6 =	sadd.s32 @!p0 $0x88, s6;
	s7 =	simm.s32 @p2 $0x1082  }
0x22: {  	[simem:s7], [sflag:s8] =	dma.local @!p0 [hbm:s6], $0xF7A  }
0x23: {  	s9 =	sor.u32 $0xD0000000, s2;
	s6 =	simm.s32 $0x108;
	_ =	swait.ge @!p0 [sflag:s8], $0x0  }
0x24: {  	s3 =	sadd.s32 $0x88, s3;
	s6 =	simm.s32 @!p1 $0x1082;
	[sflag:s4] =	ssyncset.s32 $0xFFFFF086  }
0x25: {  	[simem:s6], [sflag:s4] =	dma.local [hbm:s3], $0xF7A  }
0x26: {  	[smem:$0x3F9F] =	sst s1;
	(tag) =	ssettag s2;
	_ =	strace s9  }
0x27: {  	s1 =	sld [smem:$0x3FAF]  }
0x28: {  	s2 =	sld [smem:$0x3FB0]  }
0x29: {  	s4 =	sld [smem:$0x3FB2]  }
0x2a: {  	p0 =	seq.s32 s5, $0x0;
	s5 =	sld [smem:$0x3FB3]  }
0x2b: {  	s6 =	sld [smem:$0x3FB4]  }
0x2c: {  	s7 =	sld [smem:$0x3FB5]  }
0x2d: {  	s3 =	simm.s32 $0x108;
	s8 =	sld [smem:$0x3FB6]  }
0x2e: {  	s3 =	simm.s32 @!p0 $0x1082;
	s9 =	sld [smem:$0x3FB7]  }
0x2f: {  	lr =	sadd.s32 s0, s3;
	s0 =	sld [smem:$0x3FAE]  }
0x30: {  	s3 =	sld [smem:$0x3FB1]  }
0x31: {  	[smem:$0x3FBA] =	sst s10  }
0x32: {  	s10 =	sld [smem:$0x3FB8];
	_ =	sdelay $0x3  }
0x33: {  	p0 =	seq.s32 s10, $0x1;
	s10 =	sld [smem:$0x3FBA];
	_ =	sdelay $0x3  }
0x34: {  	[smem:$0x3FBA] =	sst s10  }
0x35: {  	s10 =	sld [smem:$0x3FB9];
	_ =	sdelay $0x3  }
0x36: {  	p1 =	seq.s32 s10, $0x1;
	s10 =	sld [smem:$0x3FBA];
	_ =	sdelay $0x3  }
0x37: {  	[smem:$0x3FBA] =	sst s10  }
0x38: {  	s10 =	sld [smem:$0x3FBB]  }
0x39: {  	_ = 	snop;
	(pc) =	sbr.ind lr, $3  }
0x3a: {  	_ = 	snop  }
0x3b: {  	_ = 	snop  }
0x3c: {  	p2 =	seq.s32 s10, $0x1;
	s10 =	sld [smem:$0x3FBA]  }
0x3d: {  	_ =	shalt  }
0x3e: {  	_ =	shalt  }
0x3f: {  	_ =	shalt  }
0x40: {  	_ =	shalt  }
0x41: {  	_ =	shalt  }
0x42: {  	_ =	shalt  }
0x43: {  	_ =	shalt  }
0x44: {  	_ =	shalt  }
0x45: {  	_ =	shalt  }
0x46: {  	_ =	shalt  }
0x47: {  	_ =	shalt  }
0x48: {  	_ =	shalt  }
0x49: {  	_ =	shalt  }
0x4a: {  	_ =	shalt  }
0x4b: {  	_ =	shalt  }
0x4c: {  	_ =	shalt  }
0x4d: {  	_ =	shalt  }
0x4e: {  	_ =	shalt  }
0x4f: {  	_ =	shalt  }
0x50: {  	_ =	shalt  }
0x51: {  	_ =	shalt  }
0x52: {  	_ =	shalt  }
0x53: {  	_ =	shalt  }
0x54: {  	_ =	shalt  }
0x55: {  	_ =	shalt  }
0x56: {  	_ =	shalt  }
0x57: {  	_ =	shalt  }
0x58: {  	_ =	shalt  }
0x59: {  	_ =	shalt  }
0x5a: {  	_ =	shalt  }
0x5b: {  	_ =	shalt  }
0x5c: {  	_ =	shalt  }
0x5d: {  	_ =	shalt  }
0x5e: {  	_ =	shalt  }
0x5f: {  	_ =	shalt  }
0x60: {  	_ =	shalt  }
0x61: {  	_ =	shalt  }
0x62: {  	_ =	shalt  }
0x63: {  	_ =	shalt  }
0x64: {  	_ =	shalt  }
0x65: {  	_ =	shalt  }
0x66: {  	_ =	shalt  }
0x67: {  	_ =	shalt  }
0x68: {  	_ =	shalt  }
0x69: {  	_ =	shalt  }
0x6a: {  	_ =	shalt  }
0x6b: {  	_ =	shalt  }
0x6c: {  	_ =	shalt  }
0x6d: {  	_ =	shalt  }
0x6e: {  	_ =	shalt  }
0x6f: {  	_ =	shalt  }
0x70: {  	_ =	shalt  }
0x71: {  	_ =	shalt  }
0x72: {  	_ =	shalt  }
0x73: {  	_ =	shalt  }
0x74: {  	_ =	shalt  }
0x75: {  	_ =	shalt  }
0x76: {  	_ =	shalt  }
0x77: {  	_ =	shalt  }
0x78: {  	_ =	shalt  }
0x79: {  	_ =	shalt  }
0x7a: {  	_ =	shalt  }
0x7b: {  	_ =	shalt  }
0x7c: {  	_ =	shalt  }
0x7d: {  	_ =	shalt  }
0x7e: {  	_ =	shalt  }
0x7f: {  	_ =	shalt  }
0x80: {  	_ =	shalt  }
0x81: {  	_ =	shalt  }
0x82: {  	_ =	shalt  }
0x83: {  	_ =	shalt  }
0x84: {  	_ =	shalt  }
0x85: {  	_ =	shalt  }
0x86: {  	_ =	shalt  }
0x87: {  	_ =	shalt  }
.Lfunc_end0:
.L_simem_size_0:
called_computation_lowered:
.L_overlay_start_0:
0x88: {  	s2 =	sld [smem:$0x3FD9]  }
0x89: {  	s3 =	sld [smem:$0x3FFE];
	_ =	sdelay $0x1  }
0x8a: {  	s1 =	srdreg.scid  }
0x8b: {  	s0 =	sand.u32 $0x1, s1  }
0x8c: {  	s18 =	sshll.u32 s0, $0xA;
	s2 =	sadd.s32 s3, s2  }
0x8d: {  	s2 =	sadd.s32 s2, s18  }
0x8e: {  	[smem:$0x3FC6] =	sst s2  }
0x8f: {  	_ = 	snop  }
0x90: {  	s2 =	sld [smem:$0x3FC9]  }
0x91: {  	s19 =	sld [smem:$0x3FC8]  }
0x92: {  	s4 =	sld [smem:$0x3FD0];
	(tm) =	ssettm $0x1  }
0x93: {  	s5 =	sld [smem:$0x3FFB];
	_ =	sdelay $0x3  }
0x94: {  	_ =	strace s5  }
0x95: {  	s5 =	sld [smem:$0x3FFC];
	_ =	sdelay $0x3  }
0x96: {  	_ =	strace s5  }
0x97: {  	s5 =	sld [smem:$0x3FFD];
	_ =	sdelay $0x3  }
0x98: {  	_ =	strace s5  }
0x99: {  	_ =	strace $0x8FFFFFFF  }
0x9a: {  	s20 =	sld [smem:$0x3FDB];
	_ =	sdelay $0x1  }
0x9b: {  	s6 =	simm.s32 $_scs_section_size  }
0x9c: {  	s7 =	simm.s32 $_size__tile_overlayer_lowered;
	s8 =	simm.s32 $_tile_overlayer_lowered  }
0x9d: {  	s23 =	simm.s32 $0x1BFF;
	s22 =	sshll.u32 s8, $0x1;
	s5 =	sadd.s32 s6, s20  }
0x9e: {  	s9 =	simm.s32 $0x0;
	s21 =	sshll.u32 s7, $0x1;
	s7 =	sadd.s32 s22, s5  }
0x9f: {  	[timem:s9], [sflag:s23] =	dma.local [hbm:s7], s21  }
0xa0: {  	_ =	swait.ge [sflag:s23], s21  }
0xa1: {  	s6 =	ssub.s32 $0x0, s21;
	[sflag:s23] =	ssyncset.done $0x0  }
0xa2: {  	[sflag:s23] =	ssyncadd.s32 s6;
	_ =	sdelay $0x1  }
0xa3: {  	s24 =	simm.s32 $0x1B8B  }
0xa4: {  	_ =	swait.ge [sflag:s24], $0x1  }
0xa5: {  	[sflag:s24] =	ssyncset.done $0x0  }
0xa6: {  	s25 =	simm.s32 $0x1B8E;
	[sflag:s24] =	ssyncadd.s32 $0xFFFFFFFF  }
0xa7: {  	s26 =	simm.s32 $execute0_lowered;
	[smem:$0x3FD2] =	sst s25  }
0xa8: {  	s6 =	sshll.u32 s26, $0x1;
	_ =	strace $0x80000046;
	[dreg:$0x1] =	wrdreg $0xFFFFFFFF  }
0xa9: {  	s28 =	simm.s32 $_size_execute0_lowered;
	s5 =	sadd.s32 s5, s6;
	[dreg:$0x0] =	wrdreg $0x0  }
0xaa: {  	s6 =	sshll.u32 s28, $0x1;
	[dreg:$0x2] =	wrdreg s5  }
0xab: {  	[dreg:$0x3] =	wrdreg s6  }
0xac: {  	[dreg:$0x4] =	wrdreg $0xC0  }
0xad: {  	_ =	task [dreg:s9], $0x5FFFF  }
0xae: {  	[dreg:$0x1] =	wrdreg $0xFFFFFFFF  }
0xaf: {  	[dreg:$0x0] =	wrdreg $0x60  }
0xb0: {  	[dreg:$0x2] =	wrdreg s2  }
0xb1: {  	[dreg:$0x3] =	wrdreg s19  }
0xb2: {  	[dreg:$0x4] =	wrdreg s4  }
0xb3: {  	[dreg:$0x5] =	wrdreg $0x9  }
0xb4: {  	_ =	task.clear_ibuf [dreg:s9], $0x6FFFF;
	_ =	strace $0x90000046  }
0xb5: {  	s29 =	simm.s32 $0x9;
	_ =	strace $0x80000048  }
0xb6: {  	_ =	swait.ge [sflag:s29], $0x1  }
0xb7: {  	[sflag:s29] =	ssyncadd.s32 $0xFFFFFFFF  }
0xb8: {  	_ =	strace $0x90000048  }
0xb9: {  	_ =	sfence  }
0xba: {  	s30 =	sld [smem:$0x0];
	_ =	sdelay $0x2  }
0xbb: {  	s31 =	sshll.u32 s1, $0xD;
	s1 =	sshrl.u32 s1, $0x2  }
0xbc: {  	s3 =	sand.u32 $0x4000, s31;
	s1 =	sadd.s32 s1, s30  }
0xbd: {  	s0 =	sor.u32 s3, s0;
	s1 =	sshll.u32 s1, $0x11  }
0xbe: {  	s0 =	sor.u32 s1, s0  }
0xbf: {  	s0 =	sadd.s32 $0x8F2B, s0  }
0xc0: {  	[sflag:s0] =	ssyncadd.remote.s32 $0x1  }
0xc1: {  	_ =	sfence.sel $0xFFFF  }
0xc2: {  	[dreg:$0x0] =	wrdreg $0xFFFFFFFF;
	(pc) =	sbr.abs _section_cstart, $3  }
0xc3: {  	[dreg:$0x1] =	wrdreg $0xFFFFFFFF  }
0xc4: {  	_ =	task.clear_ibuf [dreg:s9], $0x2FFFF;
	_ =	strace $0x9FFFFFFF  }
0xc5: {  	(tm) =	ssettm $0x7FFFFFFF  }
tec
execute0_lowered:
.L_overlay_start_1:
0x0: {  	(tag) =	ssettag $0x1  }
0x1: {  	s0 =	rddreg [dreg:$0x0]  }
0x2: {  	s2 =	rddreg [dreg:$0x1]  }
0x3: {  	s1 =	srdreg.scid;
	s11 =	stileid.u32  }
0x4: {  	s10 =	rddreg [dreg:$0x2];
	s3 =	simm.s32 $0x0;
	s15 =	simm.s32 $0x9  }
0x5: {  	s16 =	simm.s32 $0xC8;
	s17 =	simm.s32 $0x1900;
	s18 =	simm.s32 $0x7D00  }
0x6: {  	s20 =	simm.s32 $0xE100;
	s21 =	simm.s32 $0x1;
	s23 =	simm.s32 $0x14500  }
0x7: {  	s24 =	simm.s32 $0x2;
	s25 =	simm.s32 $0x5;
	s28 =	simm.s32 $0x3  }
0x8: {  	s1 =	sand.u32 $0x1, s1;
	s4 =	sshll.u32 s11, $0x1;
	s11 =	smul.u32 $0x32000, s11  }
0x9: {  	s4 =	sor.u32 s1, s4;
	s6 =	ssub.s32 $0x2, s1;
	s1 =	smul.u32 $0x19000, s1  }
0xa: {  	s29 =	simm.s32 $0x6;
	[smem:$0x7FF] =	sst s3;
	s5 =	smul.u32 $0x1900, s4  }
0xb: {  	s31 =	simm.s32 $0x4;
	_ =	strace $0x80000047;
	s7 =	smul.u32 $0xC8000, s4  }
0xc: {  	s8 =	sshrl.u32 s6, $0x1;
	s9 =	smul.u32 $0x19000, s4;
	s12 =	sadd.s32 s11, s10  }
0xd: {  	s13 =	ssub.s32 s6, s8;
	s1 =	sadd.s32 s1, s12;
	s5 =	sshrl.u32 s5, $0x3  }
0xe: {  	s26 =	sshrl.u32 s7, $0x3;
	s13 =	smax.u32 s13, $0x1;
	s22 =	sadd.s32 $0x5780, s1  }
0xf: {  	s1 =	simm.s32 $0x7;
	s0 =	sadd.s32 s0, s5;
	s5 =	sadd.s32 s10, s9  }
0x10: {  	[dreg:$0x4] =	wrdreg s0;
	s0 =	sadd.s32 s10, s26;
	s30 =	sadd.s32 $0xC80, s5  }
0x11: {  	s26 =	simm.s32 $0x0;
	[dreg:$0x5] =	wrdreg s30;
	s7 =	sadd.s32 $0x1900, s0  }
0x12: {  	s8 =	sadd.s32 $0x2580, s0;
	s9 =	sadd.s32 $0x15E00, s0;
	s10 =	sadd.s32 $0x16A80, s0  }
0x13: {  	s11 =	sadd.s32 $0x17700, s0;
	s12 =	sadd.s32 $0x18380, s0;
	s0 =	simm.s32 $0x8  }
.LBB2_1:
0x14: {  	s4 =	rddreg [dreg:$0x4]  }
0x15: {  	[tilespmem:s3], [sflag:$0x9] =	stream.linear.gather [hbm4b:s4+s3], $0x1900, $0x38;
	[tilespmem:$0x1A900] =	vst v63  }
0x16: {  	_ =	swait.ge [sflag:s15], $0x1900  }
0x17: {  	[sflag:s15] =	ssyncset.done $0x0  }
0x18: {  	[sflag:s15] =	ssyncadd.s32 $0xFFFFE700  }
0x19: {  	[tilespmem:s17], [sflag:$0x1] =	stream.indirect.gather [hbm4b:s2+s16], $0x80, s3, s16, $0xb8;
	[tilespmem:$0x1A900] =	vst v63  }
0x1a: {  	_ = 	snop  }
0x1b: {  	[tilespmem:s18], [sflag:$0x2] =	stream.indirect.gather [hbm4b:s2+s16], $0x80, s16, s16, $0xb8;
	[tilespmem:$0x1A900] =	vst v63  }
0x1c: {  	s14 =	simm.s32 $0x190  }
0x1d: {  	[tilespmem:s20], [sflag:$0x3] =	stream.indirect.gather [hbm4b:s2+s16], $0x80, s14, s16, $0xb8;
	[tilespmem:$0x1A900] =	vst v63  }
0x1e: {  	_ =	swait.ge [sflag:s21], $0x6400  }
0x1f: {  	[sflag:s21] =	ssyncset.done $0x0  }
0x20: {  	[sflag:s21] =	ssyncadd.s32 $0xFFFF9C00  }
0x21: {  	[hbm4b:s5+s3] =	stream.linear.scatter [tilespmem:s17], [sflag:$0x5], $0x6400, $0x38;
	[tilespmem:$0x1A900] =	vst v63  }
0x22: {  	s19 =	simm.s32 $0x258  }
0x23: {  	[tilespmem:s23], [sflag:$0x4] =	stream.indirect.gather [hbm4b:s2+s16], $0x80, s19, s16, $0xb8;
	[tilespmem:$0x1A900] =	vst v63  }
0x24: {  	_ =	swait.ge [sflag:s24], $0x6400  }
0x25: {  	[sflag:s24] =	ssyncset.done $0x0  }
0x26: {  	s6 =	rddreg [dreg:$0x5];
	[sflag:s24] =	ssyncadd.s32 $0xFFFF9C00  }
0x27: {  	[hbm4b:s6+s3] =	stream.linear.scatter [tilespmem:s18], [sflag:$0x6], $0x6400, $0x38;
	[tilespmem:$0x1A900] =	vst v63  }
0x28: {  	_ =	swait.ge [sflag:s25], $0x6400  }
0x29: {  	[sflag:s25] =	ssyncset.done $0x0  }
0x2a: {  	s14 =	simm.s32 $0x320;
	[sflag:s25] =	ssyncadd.s32 $0xFFFF9C00  }
0x2b: {  	[tilespmem:s17], [sflag:$0x1] =	stream.indirect.gather [hbm4b:s2+s16], $0x80, s14, s16, $0xb8;
	[tilespmem:$0x1A900] =	vst v63  }
0x2c: {  	_ =	swait.ge [sflag:s28], $0x6400  }
0x2d: {  	[sflag:s28] =	ssyncset.done $0x0  }
0x2e: {  	[sflag:s28] =	ssyncadd.s32 $0xFFFF9C00  }
0x2f: {  	[hbm4b:s7+s3] =	stream.linear.scatter [tilespmem:s20], [sflag:$0x7], $0x6400, $0x38;
	[tilespmem:$0x1A900] =	vst v63  }
0x30: {  	_ =	swait.ge [sflag:s29], $0x6400  }
0x31: {  	[sflag:s29] =	ssyncset.done $0x0  }
0x32: {  	s19 =	simm.s32 $0x3E8;
	[sflag:s29] =	ssyncadd.s32 $0xFFFF9C00  }
0x33: {  	[tilespmem:s18], [sflag:$0x2] =	stream.indirect.gather [hbm4b:s2+s16], $0x80, s19, s16, $0xb8;
	[tilespmem:$0x1A900] =	vst v63  }
0x34: {  	_ =	swait.ge [sflag:s31], $0x6400  }
0x35: {  	[sflag:s31] =	ssyncset.done $0x0  }
0x36: {  	[sflag:s31] =	ssyncadd.s32 $0xFFFF9C00  }
0x37: {  	[hbm4b:s8+s3] =	stream.linear.scatter [tilespmem:s23], [sflag:$0x8], $0x6400, $0x38;
	[tilespmem:$0x1A900] =	vst v63  }
0x38: {  	_ =	swait.ge [sflag:s1], $0x6400  }
0x39: {  	[sflag:s1] =	ssyncset.done $0x0  }
0x3a: {  	s14 =	simm.s32 $0x4B0;
	[sflag:s1] =	ssyncadd.s32 $0xFFFF9C00  }
0x3b: {  	[tilespmem:s20], [sflag:$0x3] =	stream.indirect.gather [hbm4b:s2+s16], $0x80, s14, s16, $0xb8;
	[tilespmem:$0x1A900] =	vst v63  }
0x3c: {  	_ =	swait.ge [sflag:s21], $0x6400  }
0x3d: {  	[sflag:s21] =	ssyncset.done $0x0  }
0x3e: {  	s4 =	sadd.s32 $0xFFFFDA80, s22;
	[sflag:s21] =	ssyncadd.s32 $0xFFFF9C00  }
0x3f: {  	[hbm4b:s4+s3] =	stream.linear.scatter [tilespmem:s17], [sflag:$0x5], $0x6400, $0x38;
	[tilespmem:$0x1A900] =	vst v63  }
0x40: {  	_ =	swait.ge [sflag:s0], $0x6400  }
0x41: {  	[sflag:s0] =	ssyncset.done $0x0  }
0x42: {  	s6 =	simm.s32 $0x578;
	[sflag:s0] =	ssyncadd.s32 $0xFFFF9C00  }
0x43: {  	[tilespmem:s23], [sflag:$0x4] =	stream.indirect.gather [hbm4b:s2+s16], $0x80, s6, s16, $0xb8;
	[tilespmem:$0x1A900] =	vst v63  }
0x44: {  	_ =	swait.ge [sflag:s24], $0x6400  }
0x45: {  	[sflag:s24] =	ssyncset.done $0x0  }
0x46: {  	s19 =	sadd.s32 $0xFFFFE700, s22;
	[sflag:s24] =	ssyncadd.s32 $0xFFFF9C00  }
0x47: {  	[hbm4b:s19+s3] =	stream.linear.scatter [tilespmem:s18], [sflag:$0x6], $0x6400, $0x38;
	[tilespmem:$0x1A900] =	vst v63  }
0x48: {  	_ =	swait.ge [sflag:s25], $0x6400  }
0x49: {  	[sflag:s25] =	ssyncset.done $0x0  }
0x4a: {  	s4 =	simm.s32 $0x640;
	[sflag:s25] =	ssyncadd.s32 $0xFFFF9C00  }
0x4b: {  	[tilespmem:s17], [sflag:$0x1] =	stream.indirect.gather [hbm4b:s2+s16], $0x80, s4, s16, $0xb8;
	[tilespmem:$0x1A900] =	vst v63  }
0x4c: {  	_ =	swait.ge [sflag:s28], $0x6400  }
0x4d: {  	[sflag:s28] =	ssyncset.done $0x0  }
0x4e: {  	s6 =	sadd.s32 $0xFFFFF380, s22;
	[sflag:s28] =	ssyncadd.s32 $0xFFFF9C00  }
0x4f: {  	[hbm4b:s6+s3] =	stream.linear.scatter [tilespmem:s20], [sflag:$0x7], $0x6400, $0x38;
	[tilespmem:$0x1A900] =	vst v63  }
0x50: {  	_ =	swait.ge [sflag:s29], $0x6400  }
0x51: {  	[sflag:s29] =	ssyncset.done $0x0  }
0x52: {  	s19 =	simm.s32 $0x708;
	[sflag:s29] =	ssyncadd.s32 $0xFFFF9C00  }
0x53: {  	[tilespmem:s18], [sflag:$0x2] =	stream.indirect.gather [hbm4b:s2+s16], $0x80, s19, s16, $0xb8;
	[tilespmem:$0x1A900] =	vst v63  }
0x54: {  	_ =	swait.ge [sflag:s31], $0x6400  }
0x55: {  	s30 =	simm.s32 $0xC80;
	[sflag:s31] =	ssyncset.done $0x0  }
0x56: {  	s14 =	smov.u32 s22;
	s19 =	sadd.s32 $0x3200, s22;
	[sflag:s31] =	ssyncadd.s32 $0xFFFF9C00  }
.LBB2_2:
0x57: {  	[hbm4b:s14+s3] =	stream.linear.scatter [tilespmem:s23], [sflag:$0x8], $0x6400, $0x38;
	[tilespmem:$0x1A900] =	vst v63  }
0x58: {  	s4 =	smov.u32 s30;
	s14 =	smov.u32 s19  }
0x59: {  	p0 =	sne.s32 s30, $0x3E80;
	s30 =	sadd.s32 $0xC80, s30;
	_ =	swait.ge [sflag:s1], $0x6400  }
0x5a: {  	s4 =	sshra.s32 s4, $0x2;
	[sflag:s1] =	ssyncset.done $0x0  }
0x5b: {  	s6 =	sadd.s32 $0x4B0, s4;
	[sflag:s1] =	ssyncadd.s32 $0xFFFF9C00  }
0x5c: {  	[tilespmem:s20], [sflag:$0x3] =	stream.indirect.gather [hbm4b:s2+s16], $0x80, s6, s16, $0xb8;
	[tilespmem:$0x1A900] =	vst v63  }
0x5d: {  	_ =	swait.ge [sflag:s21], $0x6400  }
0x5e: {  	[sflag:s21] =	ssyncset.done $0x0  }
0x5f: {  	s6 =	sadd.s32 $0xFFFFDA80, s19;
	[sflag:s21] =	ssyncadd.s32 $0xFFFF9C00  }
0x60: {  	[hbm4b:s6+s3] =	stream.linear.scatter [tilespmem:s17], [sflag:$0x5], $0x6400, $0x38;
	[tilespmem:$0x1A900] =	vst v63  }
0x61: {  	_ =	swait.ge [sflag:s0], $0x6400  }
0x62: {  	[sflag:s0] =	ssyncset.done $0x0  }
0x63: {  	s6 =	sadd.s32 $0x578, s4;
	[sflag:s0] =	ssyncadd.s32 $0xFFFF9C00  }
0x64: {  	[tilespmem:s23], [sflag:$0x4] =	stream.indirect.gather [hbm4b:s2+s16], $0x80, s6, s16, $0xb8;
	[tilespmem:$0x1A900] =	vst v63  }
0x65: {  	_ =	swait.ge [sflag:s24], $0x6400  }
0x66: {  	[sflag:s24] =	ssyncset.done $0x0  }
0x67: {  	s6 =	sadd.s32 $0xFFFFE700, s19;
	[sflag:s24] =	ssyncadd.s32 $0xFFFF9C00  }
0x68: {  	[hbm4b:s6+s3] =	stream.linear.scatter [tilespmem:s18], [sflag:$0x6], $0x6400, $0x38;
	[tilespmem:$0x1A900] =	vst v63  }
0x69: {  	_ =	swait.ge [sflag:s25], $0x6400  }
0x6a: {  	[sflag:s25] =	ssyncset.done $0x0  }
0x6b: {  	s6 =	sadd.s32 $0x640, s4;
	[sflag:s25] =	ssyncadd.s32 $0xFFFF9C00  }
0x6c: {  	[tilespmem:s17], [sflag:$0x1] =	stream.indirect.gather [hbm4b:s2+s16], $0x80, s6, s16, $0xb8;
	[tilespmem:$0x1A900] =	vst v63  }
0x6d: {  	_ =	swait.ge [sflag:s28], $0x6400  }
0x6e: {  	[sflag:s28] =	ssyncset.done $0x0  }
0x6f: {  	s6 =	sadd.s32 $0xFFFFF380, s19;
	[sflag:s28] =	ssyncadd.s32 $0xFFFF9C00  }
0x70: {  	[hbm4b:s6+s3] =	stream.linear.scatter [tilespmem:s20], [sflag:$0x7], $0x6400, $0x38;
	[tilespmem:$0x1A900] =	vst v63  }
0x71: {  	_ =	swait.ge [sflag:s29], $0x6400  }
0x72: {  	[sflag:s29] =	ssyncset.done $0x0  }
.Ltmp0:
0x73: {  	s4 =	sadd.s32 $0x708, s4;
	[sflag:s29] =	ssyncadd.s32 $0xFFFF9C00;
	(pc) =	sbr.rel @p0 .LBB2_2-.Ltmp0, $4  }
0x74: {  	[tilespmem:s18], [sflag:$0x2] =	stream.indirect.gather [hbm4b:s2+s16], $0x80, s4, s16, $0xb8;
	[tilespmem:$0x1A900] =	vst v63  }
0x75: {  	_ =	swait.ge [sflag:s31], $0x6400  }
0x76: {  	[sflag:s31] =	ssyncset.done $0x0  }
0x77: {  	s19 =	sadd.s32 $0x3200, s19;
	[sflag:s31] =	ssyncadd.s32 $0xFFFF9C00  }
0x78: {  	[hbm4b:s14+s3] =	stream.linear.scatter [tilespmem:s23], [sflag:$0x8], $0x6400, $0x38;
	[tilespmem:$0x1A900] =	vst v63  }
0x79: {  	_ =	swait.ge [sflag:s1], $0x6400  }
0x7a: {  	[sflag:s1] =	ssyncset.done $0x0  }
0x7b: {  	s4 =	simm.s32 $0x1770;
	[sflag:s1] =	ssyncadd.s32 $0xFFFF9C00  }
0x7c: {  	[tilespmem:s20], [sflag:$0x3] =	stream.indirect.gather [hbm4b:s2+s16], $0x80, s4, s16, $0xb8;
	[tilespmem:$0x1A900] =	vst v63  }
0x7d: {  	_ =	swait.ge [sflag:s21], $0x6400  }
0x7e: {  	[sflag:s21] =	ssyncset.done $0x0  }
0x7f: {  	[sflag:s21] =	ssyncadd.s32 $0xFFFF9C00  }
0x80: {  	[hbm4b:s9+s3] =	stream.linear.scatter [tilespmem:s17], [sflag:$0x5], $0x6400, $0x38;
	[tilespmem:$0x1A900] =	vst v63  }
0x81: {  	_ =	swait.ge [sflag:s0], $0x6400  }
0x82: {  	[sflag:s0] =	ssyncset.done $0x0  }
0x83: {  	s30 =	simm.s32 $0x1838;
	[sflag:s0] =	ssyncadd.s32 $0xFFFF9C00  }
0x84: {  	[tilespmem:s23], [sflag:$0x4] =	stream.indirect.gather [hbm4b:s2+s16], $0x80, s30, s16, $0xb8;
	[tilespmem:$0x1A900] =	vst v63  }
0x85: {  	_ =	swait.ge [sflag:s24], $0x6400  }
0x86: {  	[sflag:s24] =	ssyncset.done $0x0  }
0x87: {  	[sflag:s24] =	ssyncadd.s32 $0xFFFF9C00  }
0x88: {  	[hbm4b:s10+s3] =	stream.linear.scatter [tilespmem:s18], [sflag:$0x6], $0x6400, $0x38;
	[tilespmem:$0x1A900] =	vst v63  }
0x89: {  	_ =	swait.ge [sflag:s28], $0x6400  }
0x8a: {  	[sflag:s28] =	ssyncset.done $0x0  }
0x8b: {  	[sflag:s28] =	ssyncadd.s32 $0xFFFF9C00  }
0x8c: {  	[hbm4b:s11+s3] =	stream.linear.scatter [tilespmem:s20], [sflag:$0x7], $0x6400, $0x38;
	[tilespmem:$0x1A900] =	vst v63  }
0x8d: {  	_ =	swait.ge [sflag:s31], $0x6400  }
0x8e: {  	[sflag:s31] =	ssyncset.done $0x0  }
0x8f: {  	[sflag:s31] =	ssyncadd.s32 $0xFFFF9C00  }
0x90: {  	[hbm4b:s12+s3] =	stream.linear.scatter [tilespmem:s23], [sflag:$0x8], $0x6400, $0x38;
	[tilespmem:$0x1A900] =	vst v63  }
0x91: {  	_ =	swait.ge [sflag:s25], $0x6400  }
0x92: {  	[sflag:s25] =	ssyncset.done $0x0  }
0x93: {  	[sflag:s25] =	ssyncadd.s32 $0xFFFF9C00  }
0x94: {  	_ =	swait.ge [sflag:s29], $0x6400  }
0x95: {  	[sflag:s29] =	ssyncset.done $0x0  }
0x96: {  	s26 =	sadd.s32 $0x1, s26;
	[sflag:s29] =	ssyncadd.s32 $0xFFFF9C00  }
0x97: {  	p0 =	sne.s32 s26, s13;
	_ =	swait.ge [sflag:s1], $0x6400  }
.Ltmp1:
0x98: {  	[sflag:s1] =	ssyncset.done $0x0;
	(pc) =	sbr.rel @p0 .LBB2_1-.Ltmp1, $4  }
0x99: {  	[sflag:s1] =	ssyncadd.s32 $0xFFFF9C00  }
0x9a: {  	_ =	swait.ge [sflag:s0], $0x6400  }
0x9b: {  	[sflag:s0] =	ssyncset.done $0x0  }
0x9c: {  	[sflag:s0] =	ssyncadd.s32 $0xFFFF9C00  }
0x9d: {  	_ =	sfence.sel $0x180000  }
0x9e: {  	[bflag:$0x0] =	sbarrier.arrive $0xFFFF  }
0x9f: {  	_ =	strace $0x90000047  }
0xa0: {  	s0 =	stileid.u32;
	[bflag:$0x2] =	sbarrier.arrive $0xFFFF  }
0xa1: {  	p0 =	sne.s32 s0, $0x0;
	s0 =	rddreg [dreg:$0x3]  }
0xa2: {  	s0 =	sadd.s32 @!p0 $0x100000, s0  }
0xa3: {  	[sflag:s0] =	ssyncadd.tile.s32 @!p0 $0x1;
	_ =	shalt  }
.Lfunc_end2:
_tile_overlayer_lowered:
.L_overlay_start_2:
0xa4: {  	(tag) =	ssettag $0x2  }
0xa5: {  	s0 =	rddreg [dreg:$0x0];
	s2 =	stileid.u32  }
0xa6: {  	s1 =	rddreg [dreg:$0x1];
	p0 =	sne.s32 s2, $0x0  }
0xa7: {  	s3 =	rddreg [dreg:$0x2];
	[bflag:$0x3] =	sbarrier.arrive $0xFFFF;
	s2 =	simm.s32 @!p0 $0x1C09  }
0xa8: {  	[timem:s3], [sflag:s2] =	dma.local @!p0 [hbm:s0], s1  }
0xa9: {  	s0 =	simm.s32 @!p0 $0x9  }
0xaa: {  	_ =	swait.ge @!p0 [sflag:s0], s1  }
0xab: {  	s1 =	ssub.s32 @!p0 $0x0, s1;
	[sflag:s0] =	ssyncset.done @!p0 $0x0  }
0xac: {  	[sflag:s0] =	ssyncadd.s32 @!p0 s1  }
0xad: {  	[bflag:$0x3] =	sbarrier.arrive $0xFFFF  }
0xae: {  	_ =	shalt  }

</sc_bundles>
